<compile_context>
chip_gen: v7x
topology: tpu7x:2x2x1
jax: 0.10.2.dev20260603
libtpu: 0.0.44.dev20260713+nightly
codegen_flags: <defaults>
</compile_context>

<pallas_src>
import jax
import jax.numpy as jnp
from jax import lax
from jax.experimental import pallas as pl
from jax.experimental.pallas import tpu as pltpu
from jax.experimental.pallas import tpu_sc as plsc

_LANES = 16
_CPAD = 1216
_NUM_SAMPLE = 50


def _sc_mask_body(label_hbm, g_hbm, out_hbm, lbl_v, g_v, mask_v):
    cid = lax.axis_index("c")
    sid = lax.axis_index("s")
    n_lbl = label_hbm.shape[0]

    @pl.when(jnp.logical_and(cid == 0, sid == 0))
    def _():
        pltpu.sync_copy(label_hbm, lbl_v)
        pltpu.sync_copy(g_hbm, g_v)

        zeros16 = jnp.zeros((_LANES,), jnp.float32)
        ones16 = jnp.ones((_LANES,), jnp.float32)
        iota16 = lax.iota(jnp.int32, _LANES)

        def zero_chunk(i, c):
            mask_v[pl.ds(i * _LANES, _LANES)] = zeros16
            return c

        lax.fori_loop(0, _CPAD // _LANES, zero_chunk, 0)

        def scatter_chunk(i, c):
            idx = lbl_v[pl.ds(i * _LANES, _LANES)]
            plsc.store_scatter(mask_v, [idx], ones16)
            return c

        lax.fori_loop(0, n_lbl // _LANES, scatter_chunk, 0)

        def count_chunk(i, acc):
            return acc + mask_v[pl.ds(i * _LANES, _LANES)]

        acc = lax.fori_loop(0, _CPAD // _LANES, count_chunk, zeros16)
        n_app = jnp.sum(acc)
        k_need = jnp.float32(_NUM_SAMPLE) - n_app

        @pl.when(n_app < jnp.float32(_NUM_SAMPLE))
        def _sample():
            neg_inf = jnp.full((_LANES,), -jnp.inf, jnp.float32)

            def extract_one(i, c):
                @pl.when(jnp.float32(i) < k_need)
                def _():
                    def scan_chunk(j, carry):
                        bv, bi = carry
                        gv = g_v[pl.ds(j * _LANES, _LANES)]
                        mv = mask_v[pl.ds(j * _LANES, _LANES)]
                        ge = jnp.where(mv > 0.0, neg_inf, gv)
                        upd = ge > bv
                        bv = jnp.where(upd, ge, bv)
                        bi = jnp.where(upd, iota16 + j * _LANES, bi)
                        return bv, bi

                    bv, bi = lax.fori_loop(
                        0, _CPAD // _LANES, scan_chunk,
                        (neg_inf, jnp.zeros((_LANES,), jnp.int32)))
                    mx = jnp.max(bv)
                    sel = jnp.sum(jnp.where(bv == mx, bi, 0))
                    idxv = jnp.full((_LANES,), sel, jnp.int32)
                    plsc.store_scatter(mask_v, [idxv], ones16,
                                       mask=iota16 == 0)

                return c

            lax.fori_loop(0, _NUM_SAMPLE - 1, extract_one, 0)

        pltpu.sync_copy(mask_v, out_hbm)


def _sc_mask(label, g_padded):
    mesh = plsc.VectorSubcoreMesh(core_axis_name="c", subcore_axis_name="s")
    fn = pl.kernel(
        _sc_mask_body,
        out_type=jax.ShapeDtypeStruct((_CPAD,), jnp.float32),
        scratch_types=[
            pltpu.VMEM((label.shape[0],), jnp.int32),
            pltpu.VMEM((_CPAD,), jnp.float32),
            pltpu.VMEM((_CPAD,), jnp.float32),
        ],
        mesh=mesh,
        compiler_params=pltpu.CompilerParams(needs_layout_passes=False),
    )
    return fn(label, g_padded)


def _tc_colsum_body(score_ref, label_ref, cols_ref, out_ref):
    i = pl.program_id(0)
    x = jnp.clip(score_ref[...], -4.0, 10.0)
    log2e = jnp.float32(1.4426950408889634)
    e = lax.exp2(x * (-log2e))
    l1p = jnp.log(1.0 - lax.exp2(e * (-log2e)))
    val = jnp.where(cols_ref[...] == label_ref[...], -e, l1p)
    ones_row = jnp.ones((1, val.shape[0]), jnp.float32)
    colpart = jax.lax.dot_general(
        ones_row, val, (((1,), (0,)), ((), ())),
        preferred_element_type=jnp.float32)

    @pl.when(i == 0)
    def _():
        out_ref[...] = colpart

    @pl.when(i > 0)
    def _():
        out_ref[...] += colpart


def _tc_colsum(cls_score, label2d, cols2d, block_rows=2048):
    b, c = cls_score.shape
    grid = b // block_rows
    return pl.pallas_call(
        _tc_colsum_body,
        grid=(grid,),
        in_specs=[
            pl.BlockSpec((block_rows, c), lambda i: (i, 0)),
            pl.BlockSpec((block_rows, 1), lambda i: (i, 0)),
            pl.BlockSpec((1, c), lambda i: (0, 0)),
        ],
        out_specs=pl.BlockSpec((1, c), lambda i: (0, 0)),
        out_shape=jax.ShapeDtypeStruct((1, c), jnp.float32),
        compiler_params=pltpu.CompilerParams(
            dimension_semantics=("arbitrary",),
            allow_input_fusion=[True, True, True]),
    )(cls_score, label2d, cols2d)


def _tc_combine_body(colsum_ref, mask_ref, nrows_ref, out_ref):
    s = jnp.sum(colsum_ref[...] * mask_ref[...])
    out_ref[0, 0] = s * (-1.0 / jnp.float32(nrows_ref[0]))


def _tc_combine(colsum, mask2d, nrows):
    c = colsum.shape[1]
    return pl.pallas_call(
        _tc_combine_body,
        grid=(1,),
        in_specs=[
            pl.BlockSpec((1, c), lambda i: (0, 0)),
            pl.BlockSpec((1, c), lambda i: (0, 0)),
            pl.BlockSpec(memory_space=pltpu.SMEM),
        ],
        out_specs=pl.BlockSpec((1, 1), lambda i: (0, 0),
                               memory_space=pltpu.SMEM),
        out_shape=jax.ShapeDtypeStruct((1, 1), jnp.float32),
    )(colsum, mask2d, nrows)


def kernel(cls_score, label, freq_weight):
    b, c = cls_score.shape
    gum = jax.random.gumbel(jax.random.key(1), (c + 1,), jnp.float32)
    g = jnp.concatenate([
        gum[:c] + jnp.log(freq_weight),
        jnp.full((_CPAD - c,), -jnp.inf, jnp.float32),
    ])
    mask_full = _sc_mask(label, g)
    mask2d = mask_full[:c].reshape(1, c)
    cols2d = jnp.arange(c, dtype=jnp.int32).reshape(1, c)
    colsum = _tc_colsum(cls_score, label.reshape(b, 1), cols2d)
    out = _tc_combine(colsum, mask2d, jnp.array([b], jnp.int32))
    return out[0, 0]

# --- scband reference (transcript-rebuilt; emitter-appended) ---
"""Pipeline reference for scband-fed-loss-35845797052829 (READ-ONLY COPY).

The authoritative reference and input builder live on the scoring server;
editing this copy changes nothing except your own understanding.
"""

import jax, jax.numpy as jnp
import numpy as np

B = 16384
C = 1203

def setup_inputs(seed: int = 0) -> dict:
    key = jax.random.key(seed)
    k1, k2, k3 = jax.random.split(key, 3)
    cls_score = jax.random.normal(k1, (B, C), dtype=jnp.float32)
    label = jax.random.randint(k2, (B,), 0, C + 1, dtype=jnp.int32)
    # freq_weight buffer: in torch it is loaded from a LVIS csv (img_freq ** 0.5);
    # materialize a realistic positive per-class weight here.
    freq_weight = jax.random.uniform(k3, (C,), dtype=jnp.float32, minval=0.1, maxval=30.0)
    return {"cls_score": cls_score, "label": label, "freq_weight": freq_weight}


def get_fed_loss_inds(gt_classes, num_sample_cats, C_, weight, key):
    presence = jnp.zeros(C_ + 1, dtype=jnp.float32).at[gt_classes].set(1.0)
    n_app = jnp.sum(presence).astype(jnp.int32)

    def sample_more(mask):
        prob = jnp.ones(C_ + 1, dtype=jnp.float32)
        prob = prob.at[-1].set(0.0)
        prob = prob.at[:C_].set(weight.astype(jnp.float32))
        prob = jnp.where(presence > 0.0, 0.0, prob)
        p = prob / jnp.sum(prob)
        sampled = jax.random.choice(key, C_ + 1, shape=(num_sample_cats,), replace=False, p=p)
        sel = jnp.arange(num_sample_cats) < (num_sample_cats - n_app)
        idx = jnp.where(sel, sampled, C_)
        return mask.at[idx].set(1.0)

    appeared_mask = jax.lax.cond(n_app < num_sample_cats, sample_more, lambda m: m, presence)
    return appeared_mask


def reference(cls_score, label, freq_weight):
    B_, C_ = cls_score.shape
    # use_classif == 'gumbel'
    x = jnp.clip(cls_score, -4.0, 10.0)
    pestim = jnp.exp(-jnp.exp(-x))
    # cross_entropy_loss(pestim, label, with_logits=False)
    target = jnp.zeros((B_, C_ + 1), dtype=jnp.float32)
    target = target.at[jnp.arange(B_), label].set(1.0)
    target = target[:, :C_]
    appeared_mask = get_fed_loss_inds(label, 50, C_, freq_weight, jax.random.key(1))
    appeared_mask = appeared_mask[:C_]
    fed_w = jnp.broadcast_to(appeared_mask.reshape(1, C_), (B_, C_)).astype(jnp.float32)
    # binary_cross_entropy (no logits), torch clamps log terms at -100
    logp = jnp.maximum(jnp.log(pestim), -100.0)
    log1mp = jnp.maximum(jnp.log1p(-pestim), -100.0)
    cls_loss = -(target * logp + (1.0 - target) * log1mp)
    loss = jnp.sum(cls_loss * fed_w) / B_
    return 1.0 * loss

if __name__ == "__main__":
    import jax
    _d = setup_inputs()
    print(jax.jit(kernel)(*tuple(_d.values())))

</pallas_src>

<mosaic_0001>
#map = affine_map<(d0, d1) -> (0)>
module attributes {stable_mosaic.version = 14 : i64} {
  func.func @_sc_mask_body(%arg0: i32, %arg1: i32, %arg2: memref<16384xi32, #tpu.memory_space<hbm>>, %arg3: memref<1216xf32, #tpu.memory_space<hbm>>, %arg4: memref<1216xf32, #tpu.memory_space<hbm>>, %arg5: memref<16384xi32, #tpu.memory_space<vmem>>, %arg6: memref<1216xf32, #tpu.memory_space<vmem>>, %arg7: memref<1216xf32, #tpu.memory_space<vmem>>) attributes {dimension_semantics = [#tpu.dimension_semantics<core_parallel>, #tpu.dimension_semantics<subcore_parallel>], iteration_bounds = array<i64: 2, 16>, scalar_prefetch = 0 : i64, scratch_operands = 3 : i64, tpu.core_type = #tpu.core_type<sc_vector_subcore>, window_params = [{transform_indices = #map}, {transform_indices = #map}, {transform_indices = #map}]} {
    %eq3A = arith.constant 0 : i32
    %eq3A_0 = arith.cmpi eq, %arg0, %eq3A : i32
    %eq3A_1 = arith.constant 0 : i32
    %eq3A_2 = arith.cmpi eq, %arg1, %eq3A_1 : i32
    %and3A = arith.andi %eq3A_0, %eq3A_2 : i1
    %convert_element_type3A = arith.extui %and3A : i1 to i32
    %cond3A = arith.constant 0 : i32
    %cond3A_3 = arith.cmpi ne, %convert_element_type3A, %cond3A : i32
    scf.if %cond3A_3 {
      "tpu.region"() ({
        %run_scoped3A = tpu.sem_alloc : memref<!tpu.dma_semaphore, #tpu.memory_space<semaphore_mem>>
        tpu.enqueue_dma source(%arg2 : memref<16384xi32, #tpu.memory_space<hbm>>) target(%arg5 : memref<16384xi32, #tpu.memory_space<vmem>>) target_semaphore(%run_scoped3A : memref<!tpu.dma_semaphore, #tpu.memory_space<semaphore_mem>>)
        tpu.wait_dma2 semaphore(%run_scoped3A : memref<!tpu.dma_semaphore, #tpu.memory_space<semaphore_mem>>) src(%arg2 : memref<16384xi32, #tpu.memory_space<hbm>>) dst(%arg5 : memref<16384xi32, #tpu.memory_space<vmem>>)
        tpu.yield
      }) : () -> ()
      "tpu.region"() ({
        %run_scoped3A = tpu.sem_alloc : memref<!tpu.dma_semaphore, #tpu.memory_space<semaphore_mem>>
        tpu.enqueue_dma source(%arg3 : memref<1216xf32, #tpu.memory_space<hbm>>) target(%arg6 : memref<1216xf32, #tpu.memory_space<vmem>>) target_semaphore(%run_scoped3A : memref<!tpu.dma_semaphore, #tpu.memory_space<semaphore_mem>>)
        tpu.wait_dma2 semaphore(%run_scoped3A : memref<!tpu.dma_semaphore, #tpu.memory_space<semaphore_mem>>) src(%arg3 : memref<1216xf32, #tpu.memory_space<hbm>>) dst(%arg6 : memref<1216xf32, #tpu.memory_space<vmem>>)
        tpu.yield
      }) : () -> ()
      %broadcast_in_dim3A = arith.constant 0.000000e+00 : f32
      %broadcast_in_dim3A_4 = vector.broadcast %broadcast_in_dim3A : f32 to vector<16xf32>
      %broadcast_in_dim3A_5 = arith.constant 1.000000e+00 : f32
      %broadcast_in_dim3A_6 = vector.broadcast %broadcast_in_dim3A_5 : f32 to vector<16xf32>
      %iota3A = tpu.iota {dimensions = array<i32: 0>} : vector<16xi32>
      %scan3A = arith.constant 0 : i32
      %scan3A_7 = arith.constant 0 : i32
      %scan3A_8 = arith.constant 76 : i32
      %scan3A_9 = arith.addi %scan3A_7, %scan3A_8 : i32
      %scan3A_10 = arith.constant 1 : i32
      scf.for %scan3A_32 = %scan3A_7 to %scan3A_9 step %scan3A_10  : i32 {
        %mul3A = arith.constant 16 : i32
        %mul3A_33 = arith.muli %scan3A_32, %mul3A : i32
        %swap3A = arith.index_cast %mul3A_33 : i32 to index
        %swap3A_34 = tpu.vector_load %arg7[%swap3A] {strides = array<i32>} : memref<1216xf32, #tpu.memory_space<vmem>>, vector<16xf32>,
        tpu.vector_store %arg7[%swap3A], %broadcast_in_dim3A_4 {strides = array<i32>} : memref<1216xf32, #tpu.memory_space<vmem>>, vector<16xf32>,
      }
      %scan3A_11 = arith.constant 76 : i32
      %scan3A_12 = arith.constant 0 : i32
      %scan3A_13 = arith.constant 0 : i32
      %scan3A_14 = arith.constant 1024 : i32
      %scan3A_15 = arith.addi %scan3A_13, %scan3A_14 : i32
      %scan3A_16 = arith.constant 1 : i32
      scf.for %scan3A_32 = %scan3A_13 to %scan3A_15 step %scan3A_16  : i32 {
        %mul3A = arith.constant 16 : i32
        %mul3A_33 = arith.muli %scan3A_32, %mul3A : i32
        %get3A = arith.index_cast %mul3A_33 : i32 to index
        %get3A_34 = tpu.vector_load %arg5[%get3A] {strides = array<i32>} : memref<16384xi32, #tpu.memory_space<vmem>>, vector<16xi32>,
        tpu.vector_store_idx %arg7[%get3A_34], %broadcast_in_dim3A_6 : memref<1216xf32, #tpu.memory_space<vmem>>[vector<16xi32>], vector<16xf32>,
      }
      %scan3A_17 = arith.constant 1024 : i32
      %scan3A_18 = arith.constant 0 : i32
      %scan3A_19 = arith.constant 76 : i32
      %scan3A_20 = arith.addi %scan3A_18, %scan3A_19 : i32
      %scan3A_21 = arith.constant 1 : i32
      %scan3A_22 = scf.for %scan3A_32 = %scan3A_18 to %scan3A_20 step %scan3A_21 iter_args(%scan3A_33 = %broadcast_in_dim3A_4) -> (vector<16xf32>)  : i32 {
        %mul3A = arith.constant 16 : i32
        %mul3A_34 = arith.muli %scan3A_32, %mul3A : i32
        %get3A = arith.index_cast %mul3A_34 : i32 to index
        %get3A_35 = tpu.vector_load %arg7[%get3A] {strides = array<i32>} : memref<1216xf32, #tpu.memory_space<vmem>>, vector<16xf32>,
        %add3A = arith.addf %scan3A_33, %get3A_35 : vector<16xf32>
        scf.yield %add3A : vector<16xf32>
      }
      %scan3A_23 = arith.constant 76 : i32
      %reduce_sum3A = arith.constant true
      %reduce_sum3A_24 = vector.broadcast %reduce_sum3A : i1 to vector<16xi1>
      %reduce_sum3A_25 = tpu.scan <sum>, %scan3A_22 masked %reduce_sum3A_24 : vector<16xf32>, vector<16xi1> -> vector<16xf32>
      %reduce_sum3A_26 = vector.extract %reduce_sum3A_25[15] : f32 from vector<16xf32>
      %sub3A = arith.constant 5.000000e+01 : f32
      %sub3A_27 = arith.subf %sub3A, %reduce_sum3A_26 : f32
      %lt3A = arith.constant 5.000000e+01 : f32
      %lt3A_28 = arith.cmpf olt, %reduce_sum3A_26, %lt3A : f32
      %convert_element_type3A_29 = arith.extui %lt3A_28 : i1 to i32
      %cond3A_30 = arith.constant 0 : i32
      %cond3A_31 = arith.cmpi ne, %convert_element_type3A_29, %cond3A_30 : i32
      scf.if %cond3A_31 {
        %broadcast_in_dim3A_32 = arith.constant 0xFF800000 : f32
        %broadcast_in_dim3A_33 = vector.broadcast %broadcast_in_dim3A_32 : f32 to vector<16xf32>
        %scan3A_34 = arith.constant 0 : i32
        %scan3A_35 = arith.constant 0 : i32
        %scan3A_36 = arith.constant 49 : i32
        %scan3A_37 = arith.addi %scan3A_35, %scan3A_36 : i32
        %scan3A_38 = arith.constant 1 : i32
        scf.for %scan3A_40 = %scan3A_35 to %scan3A_37 step %scan3A_38  : i32 {
          %convert_element_type3A_41 = arith.sitofp %scan3A_40 : i32 to f32
          %lt3A_42 = arith.cmpf olt, %convert_element_type3A_41, %sub3A_27 : f32
          %convert_element_type3A_43 = arith.extui %lt3A_42 : i1 to i32
          %cond3A_44 = arith.constant 0 : i32
          %cond3A_45 = arith.cmpi ne, %convert_element_type3A_43, %cond3A_44 : i32
          scf.if %cond3A_45 {
            %broadcast_in_dim3A_46 = arith.constant 0 : i32
            %broadcast_in_dim3A_47 = vector.broadcast %broadcast_in_dim3A_46 : i32 to vector<16xi32>
            %scan3A_48 = arith.constant 0 : i32
            %scan3A_49 = arith.constant 76 : i32
            %scan3A_50 = arith.addi %scan3A_48, %scan3A_49 : i32
            %scan3A_51 = arith.constant 1 : i32
            %scan3A_52:2 = scf.for %scan3A_68 = %scan3A_48 to %scan3A_50 step %scan3A_51 iter_args(%scan3A_69 = %broadcast_in_dim3A_33, %scan3A_70 = %broadcast_in_dim3A_47) -> (vector<16xf32>, vector<16xi32>)  : i32 {
              %mul3A = arith.constant 16 : i32
              %mul3A_71 = arith.muli %scan3A_68, %mul3A : i32
              %get3A = arith.index_cast %mul3A_71 : i32 to index
              %get3A_72 = tpu.vector_load %arg6[%get3A] {strides = array<i32>} : memref<1216xf32, #tpu.memory_space<vmem>>, vector<16xf32>,
              %mul3A_73 = arith.constant 16 : i32
              %mul3A_74 = arith.muli %scan3A_68, %mul3A_73 : i32
              %get3A_75 = arith.index_cast %mul3A_74 : i32 to index
              %get3A_76 = tpu.vector_load %arg7[%get3A_75] {strides = array<i32>} : memref<1216xf32, #tpu.memory_space<vmem>>, vector<16xf32>,
              %gt3A = arith.constant 0.000000e+00 : f32
              %gt3A_77 = vector.broadcast %gt3A : f32 to vector<16xf32>
              %gt3A_78 = arith.cmpf ogt, %get3A_76, %gt3A_77 : vector<16xf32>
              %select_n3A_79 = arith.select %gt3A_78, %broadcast_in_dim3A_33, %get3A_72 : vector<16xi1>, vector<16xf32>
              %gt3A_80 = arith.cmpf ogt, %select_n3A_79, %scan3A_69 : vector<16xf32>
              %select_n3A_81 = arith.select %gt3A_80, %select_n3A_79, %scan3A_69 : vector<16xi1>, vector<16xf32>
              %mul3A_82 = arith.constant 16 : i32
              %mul3A_83 = arith.muli %scan3A_68, %mul3A_82 : i32
              %add3A = vector.broadcast %mul3A_83 : i32 to vector<16xi32>
              %add3A_84 = arith.addi %iota3A, %add3A : vector<16xi32>
              %select_n3A_85 = arith.select %gt3A_80, %add3A_84, %scan3A_70 : vector<16xi1>, vector<16xi32>
              scf.yield %select_n3A_81, %select_n3A_85 : vector<16xf32>, vector<16xi32>
            }
            %scan3A_53 = arith.constant 76 : i32
            %reduce_max3A = arith.constant true
            %reduce_max3A_54 = vector.broadcast %reduce_max3A : i1 to vector<16xi1>
            %reduce_max3A_55 = tpu.scan <max>, %scan3A_52#0 masked %reduce_max3A_54 : vector<16xf32>, vector<16xi1> -> vector<16xf32>
            %reduce_max3A_56 = vector.extract %reduce_max3A_55[15] : f32 from vector<16xf32>
            %eq3A_57 = vector.broadcast %reduce_max3A_56 : f32 to vector<16xf32>
            %eq3A_58 = arith.cmpf oeq, %scan3A_52#0, %eq3A_57 : vector<16xf32>
            %jit3A = arith.constant 0 : i32
            %broadcast_in_dim3A_59 = vector.broadcast %jit3A : i32 to vector<16xi32>
            %select_n3A = arith.select %eq3A_58, %scan3A_52#1, %broadcast_in_dim3A_59 : vector<16xi1>, vector<16xi32>
            %reduce_sum3A_60 = arith.constant true
            %reduce_sum3A_61 = vector.broadcast %reduce_sum3A_60 : i1 to vector<16xi1>
            %reduce_sum3A_62 = tpu.scan <sum>, %select_n3A masked %reduce_sum3A_61 : vector<16xi32>, vector<16xi1> -> vector<16xi32>
            %reduce_sum3A_63 = vector.extract %reduce_sum3A_62[15] : i32 from vector<16xi32>
            %broadcast_in_dim3A_64 = vector.broadcast %reduce_sum3A_63 : i32 to vector<16xi32>
            %eq3A_65 = arith.constant 0 : i32
            %eq3A_66 = vector.broadcast %eq3A_65 : i32 to vector<16xi32>
            %eq3A_67 = arith.cmpi eq, %iota3A, %eq3A_66 : vector<16xi32>
            tpu.vector_store_idx %arg7[%broadcast_in_dim3A_64], %broadcast_in_dim3A_6 masked %eq3A_67 : memref<1216xf32, #tpu.memory_space<vmem>>[vector<16xi32>], vector<16xf32>, vector<16xi1>
          } else {
          }
        }
        %scan3A_39 = arith.constant 49 : i32
      } else {
      }
      "tpu.region"() ({
        %run_scoped3A = tpu.sem_alloc : memref<!tpu.dma_semaphore, #tpu.memory_space<semaphore_mem>>
        tpu.enqueue_dma source(%arg7 : memref<1216xf32, #tpu.memory_space<vmem>>) target(%arg4 : memref<1216xf32, #tpu.memory_space<hbm>>) target_semaphore(%run_scoped3A : memref<!tpu.dma_semaphore, #tpu.memory_space<semaphore_mem>>)
        tpu.wait_dma2 semaphore(%run_scoped3A : memref<!tpu.dma_semaphore, #tpu.memory_space<semaphore_mem>>) src(%arg7 : memref<1216xf32, #tpu.memory_space<vmem>>) dst(%arg4 : memref<1216xf32, #tpu.memory_space<hbm>>)
        tpu.yield
      }) : () -> ()
    } else {
    }
    return
  }
}

module attributes {stable_mosaic.version = 14 : i64} {
  func.func @_tc_colsum_body(%arg0: i32, %arg1: memref<2048x1203xf32, #tpu.memory_space<vmem>>, %arg2: memref<2048x1xi32, #tpu.memory_space<vmem>>, %arg3: memref<1x1203xi32, #tpu.memory_space<vmem>>, %arg4: memref<1x1203xf32, #tpu.memory_space<vmem>>) attributes {dimension_semantics = [#tpu.dimension_semantics<arbitrary>], iteration_bounds = array<i64: 8>, scalar_prefetch = 0 : i64, scratch_operands = 0 : i64, tpu.core_type = #tpu.core_type<tc>, window_params = [{transform_indices = @transform_0, window_bounds = array<i64: 2048, 1203>}, {transform_indices = @transform_1, window_bounds = array<i64: 2048, 1>}, {pipeline_mode = #tpu.pipeline_mode<synchronous>, transform_indices = @transform_2, window_bounds = array<i64: 1, 1203>}, {pipeline_mode = #tpu.pipeline_mode<synchronous>, transform_indices = @transform_3, window_bounds = array<i64: 1, 1203>}]} {
    %get3A = arith.constant 0 : index
    %get3A_0 = arith.constant 0 : index
    %get3A_1 = vector.load %arg1[%get3A, %get3A_0] : memref<2048x1203xf32, #tpu.memory_space<vmem>>, vector<2048x1203xf32>
    %jit3A = arith.constant -4.000000e+00 : f32
    %jit3A_2 = arith.constant 1.000000e+01 : f32
    %max3A = vector.broadcast %jit3A : f32 to vector<2048x1203xf32>
    %max3A_3 = arith.maximumf %max3A, %get3A_1 : vector<2048x1203xf32>
    %min3A = vector.broadcast %jit3A_2 : f32 to vector<2048x1203xf32>
    %min3A_4 = arith.minimumf %min3A, %max3A_3 : vector<2048x1203xf32>
    %neg3A = arith.constant 0.000000e+00 : f32
    %neg3A_5 = arith.constant 1.44269502 : f32
    %neg3A_6 = arith.subf %neg3A, %neg3A_5 : f32
    %mul3A = vector.broadcast %neg3A_6 : f32 to vector<2048x1203xf32>
    %mul3A_7 = arith.mulf %min3A_4, %mul3A : vector<2048x1203xf32>
    %exp23A = math.exp2 %mul3A_7 : vector<2048x1203xf32>
    %neg3A_8 = arith.constant 0.000000e+00 : f32
    %neg3A_9 = arith.constant 1.44269502 : f32
    %neg3A_10 = arith.subf %neg3A_8, %neg3A_9 : f32
    %mul3A_11 = vector.broadcast %neg3A_10 : f32 to vector<2048x1203xf32>
    %mul3A_12 = arith.mulf %exp23A, %mul3A_11 : vector<2048x1203xf32>
    %exp23A_13 = math.exp2 %mul3A_12 : vector<2048x1203xf32>
    %sub3A = arith.constant 1.000000e+00 : f32
    %sub3A_14 = vector.broadcast %sub3A : f32 to vector<2048x1203xf32>
    %sub3A_15 = arith.subf %sub3A_14, %exp23A_13 : vector<2048x1203xf32>
    %log3A = math.log %sub3A_15 : vector<2048x1203xf32>
    %get3A_16 = arith.constant 0 : index
    %get3A_17 = arith.constant 0 : index
    %get3A_18 = vector.load %arg3[%get3A_16, %get3A_17] : memref<1x1203xi32, #tpu.memory_space<vmem>>, vector<1x1203xi32>
    %get3A_19 = arith.constant 0 : index
    %get3A_20 = arith.constant 0 : index
    %get3A_21 = vector.load %arg2[%get3A_19, %get3A_20] : memref<2048x1xi32, #tpu.memory_space<vmem>>, vector<2048x1xi32>
    %eq3A = vector.broadcast %get3A_18 : vector<1x1203xi32> to vector<2048x1203xi32>
    %eq3A_22 = vector.broadcast %get3A_21 : vector<2048x1xi32> to vector<2048x1203xi32>
    %eq3A_23 = arith.cmpi eq, %eq3A, %eq3A_22 : vector<2048x1203xi32>
    %neg3A_24 = arith.constant 0.000000e+00 : f32
    %neg3A_25 = vector.broadcast %neg3A_24 : f32 to vector<2048x1203xf32>
    %neg3A_26 = arith.subf %neg3A_25, %exp23A : vector<2048x1203xf32>
    %select_n3A = arith.select %eq3A_23, %neg3A_26, %log3A : vector<2048x1203xi1>, vector<2048x1203xf32>
    %broadcast_in_dim3A = arith.constant 1.000000e+00 : f32
    %broadcast_in_dim3A_27 = vector.broadcast %broadcast_in_dim3A : f32 to vector<1x2048xf32>
    %dot_general3A = arith.constant dense<0.000000e+00> : vector<1x1203xf32>
    %dot_general3A_28 = tpu.matmul %broadcast_in_dim3A_27, %select_n3A, %dot_general3A {dimension_numbers = #tpu.dot_dimension_numbers<[1], [0], [0], [1], [0, 0, 1, 1], [], []>, transpose_lhs_hint = false} : vector<1x2048xf32>, vector<2048x1203xf32>, vector<1x1203xf32> -> vector<1x1203xf32>
    %eq3A_29 = arith.constant 0 : i32
    %eq3A_30 = arith.cmpi eq, %arg0, %eq3A_29 : i32
    %convert_element_type3A = arith.extui %eq3A_30 : i1 to i32
    %cond3A = arith.constant 0 : i32
    %cond3A_31 = arith.cmpi ne, %convert_element_type3A, %cond3A : i32
    scf.if %cond3A_31 {
      %swap3A = arith.constant 0 : index
      %swap3A_36 = arith.constant 0 : index
      %swap3A_37 = vector.load %arg4[%swap3A, %swap3A_36] : memref<1x1203xf32, #tpu.memory_space<vmem>>, vector<1x1203xf32>
      tpu.vector_store %arg4[%swap3A, %swap3A_36], %dot_general3A_28 {strides = array<i32>} : memref<1x1203xf32, #tpu.memory_space<vmem>>, vector<1x1203xf32>,
    } else {
    }
    %gt3A = arith.constant 0 : i32
    %gt3A_32 = arith.cmpi sgt, %arg0, %gt3A : i32
    %convert_element_type3A_33 = arith.extui %gt3A_32 : i1 to i32
    %cond3A_34 = arith.constant 0 : i32
    %cond3A_35 = arith.cmpi ne, %convert_element_type3A_33, %cond3A_34 : i32
    scf.if %cond3A_35 {
      %get3A_36 = arith.constant 0 : index
      %get3A_37 = arith.constant 0 : index
      %get3A_38 = vector.load %arg4[%get3A_36, %get3A_37] : memref<1x1203xf32, #tpu.memory_space<vmem>>, vector<1x1203xf32>
      %add3A = arith.addf %get3A_38, %dot_general3A_28 : vector<1x1203xf32>
      %swap3A = arith.constant 0 : index
      %swap3A_39 = arith.constant 0 : index
      %swap3A_40 = vector.load %arg4[%swap3A, %swap3A_39] : memref<1x1203xf32, #tpu.memory_space<vmem>>, vector<1x1203xf32>
      tpu.vector_store %arg4[%swap3A, %swap3A_39], %add3A {strides = array<i32>} : memref<1x1203xf32, #tpu.memory_space<vmem>>, vector<1x1203xf32>,
    } else {
    }
    return
  }
  func.func @transform_0(%arg0: i32) -> (i32, i32) {
    %c0_i32 = arith.constant 0 : i32
    %c0_i32_0 = arith.constant 0 : i32
    return %arg0, %c0_i32 : i32, i32
  }
  func.func @transform_1(%arg0: i32) -> (i32, i32) {
    %c0_i32 = arith.constant 0 : i32
    %c0_i32_0 = arith.constant 0 : i32
    return %arg0, %c0_i32 : i32, i32
  }
  func.func @transform_2(%arg0: i32) -> (i32, i32) {
    %c0_i32 = arith.constant 0 : i32
    %c0_i32_0 = arith.constant 0 : i32
    %c0_i32_1 = arith.constant 0 : i32
    return %c0_i32, %c0_i32_0 : i32, i32
  }
  func.func @transform_3(%arg0: i32) -> (i32, i32) {
    %c0_i32 = arith.constant 0 : i32
    %c0_i32_0 = arith.constant 0 : i32
    %c0_i32_1 = arith.constant 0 : i32
    return %c0_i32, %c0_i32_0 : i32, i32
  }
}

module attributes {stable_mosaic.version = 14 : i64} {
  func.func @_tc_combine_body(%arg0: i32, %arg1: memref<1x1203xf32, #tpu.memory_space<vmem>>, %arg2: memref<1x1203xf32, #tpu.memory_space<vmem>>, %arg3: memref<1xi32, #tpu.memory_space<smem>>, %arg4: memref<1x1xf32, #tpu.memory_space<smem>>) attributes {dimension_semantics = [#tpu.dimension_semantics<arbitrary>], iteration_bounds = array<i64: 1>, scalar_prefetch = 0 : i64, scratch_operands = 0 : i64, tpu.core_type = #tpu.core_type<tc>, window_params = [{pipeline_mode = #tpu.pipeline_mode<synchronous>, transform_indices = @transform_0, window_bounds = array<i64: 1, 1203>}, {pipeline_mode = #tpu.pipeline_mode<synchronous>, transform_indices = @transform_1, window_bounds = array<i64: 1, 1203>}, {transform_indices = @transform_2, window_bounds = array<i64: 1>}, {transform_indices = @transform_3, window_bounds = array<i64: 1, 1>}]} {
    %get3A = arith.constant 0 : index
    %get3A_0 = arith.constant 0 : index
    %get3A_1 = vector.load %arg1[%get3A, %get3A_0] : memref<1x1203xf32, #tpu.memory_space<vmem>>, vector<1x1203xf32>
    %get3A_2 = arith.constant 0 : index
    %get3A_3 = arith.constant 0 : index
    %get3A_4 = vector.load %arg2[%get3A_2, %get3A_3] : memref<1x1203xf32, #tpu.memory_space<vmem>>, vector<1x1203xf32>
    %mul3A = arith.mulf %get3A_1, %get3A_4 : vector<1x1203xf32>
    %reduce_sum3A = vector.shape_cast %mul3A : vector<1x1203xf32> to vector<1x1x1203xf32>
    %reduce_sum3A_5 = arith.constant dense<0.000000e+00> : vector<1xf32>
    %reduce_sum3A_6 = vector.multi_reduction <add>, %reduce_sum3A, %reduce_sum3A_5 [1, 2] : vector<1x1x1203xf32> to vector<1xf32>
    %reduce_sum3A_7 = vector.shape_cast %reduce_sum3A_6 : vector<1xf32> to vector<1x1x1xf32>
    %reduce_sum3A_8 = vector.extract %reduce_sum3A_7[0, 0, 0] : f32 from vector<1x1x1xf32>
    %get3A_9 = arith.constant 0 : index
    %get3A_10 = memref.load %arg3[%get3A_9] : memref<1xi32, #tpu.memory_space<smem>>
    %convert_element_type3A = arith.sitofp %get3A_10 : i32 to f32
    %div3A = arith.constant -1.000000e+00 : f32
    %div3A_11 = arith.divf %div3A, %convert_element_type3A : f32
    %mul3A_12 = arith.mulf %reduce_sum3A_8, %div3A_11 : f32
    %swap3A = arith.constant 0 : index
    %swap3A_13 = arith.constant 0 : index
    %swap3A_14 = memref.load %arg4[%swap3A, %swap3A_13] : memref<1x1xf32, #tpu.memory_space<smem>>
    memref.store %mul3A_12, %arg4[%swap3A, %swap3A_13] : memref<1x1xf32, #tpu.memory_space<smem>>
    return
  }
  func.func @transform_0(%arg0: i32) -> (i32, i32) {
    %c0_i32 = arith.constant 0 : i32
    %c0_i32_0 = arith.constant 0 : i32
    %c0_i32_1 = arith.constant 0 : i32
    return %c0_i32, %c0_i32_0 : i32, i32
  }
  func.func @transform_1(%arg0: i32) -> (i32, i32) {
    %c0_i32 = arith.constant 0 : i32
    %c0_i32_0 = arith.constant 0 : i32
    %c0_i32_1 = arith.constant 0 : i32
    return %c0_i32, %c0_i32_0 : i32, i32
  }
  func.func @transform_2(%arg0: i32) -> i32 {
    %c0_i32 = arith.constant 0 : i32
    %c0_i32_0 = arith.constant 0 : i32
    return %c0_i32 : i32
  }
  func.func @transform_3(%arg0: i32) -> (i32, i32) {
    %c0_i32 = arith.constant 0 : i32
    %c0_i32_0 = arith.constant 0 : i32
    %c0_i32_1 = arith.constant 0 : i32
    return %c0_i32, %c0_i32_0 : i32, i32
  }
}

</mosaic_0001>

<sc_bundles>
// kernel: kernel.5.cloned.1.call-start
scs
__scs_entry_jumppad:
0x0: {  	(pc) =	sbr.rel $0x88, $3  }
0x1: {  	(tag) =	ssettag $0x0;
	lr =	simm.s32 $0x1  }
0x2: {  	[smem:$0x3F9E] =	sst lr;
	_ =	strace $0xD0000000  }
0x3: {  	_ = 	snop  }
0x4: {  	_ = 	snop  }
0x5: {  	_ = 	snop  }
0x6: {  	_ = 	snop  }
0x7: {  	_ = 	snop  }
__scs_overlays_trampoline_lowered:
0x8: {  	[smem:$0x3FAD] =	sst s0  }
0x9: {  	[smem:$0x3FAE] =	sst s1  }
0xa: {  	[smem:$0x3FAF] =	sst s2  }
0xb: {  	[smem:$0x3FB0] =	sst s3  }
0xc: {  	[smem:$0x3FB1] =	sst s4  }
0xd: {  	[smem:$0x3FB2] =	sst s5  }
0xe: {  	[smem:$0x3FB3] =	sst s6  }
0xf: {  	[smem:$0x3FB4] =	sst s7  }
0x10: {  	[smem:$0x3FB5] =	sst s8  }
0x11: {  	[smem:$0x3FB6] =	sst s9;
	s0 =	simm.s32 @!p0 $0x0  }
0x12: {  	s1 =	sld [smem:$0x3F9C];
	s0 =	simm.s32 @p0 $0x1  }
0x13: {  	[smem:$0x3FB7] =	sst s0;
	s0 =	simm.s32 @!p1 $0x0  }
0x14: {  	s2 =	sld [smem:$0x3F9B];
	s0 =	simm.s32 @p1 $0x1  }
0x15: {  	[smem:$0x3FB8] =	sst s0;
	s0 =	simm.s32 @!p2 $0x0  }
0x16: {  	s3 =	sld [smem:$0x3FDB];
	s0 =	simm.s32 @p2 $0x1  }
0x17: {  	s4 =	simm.s32 $0x1BF5;
	[smem:$0x3FBA] =	sst s0  }
0x18: {  	s0 =	sld [smem:$0x3F9D];
	_ =	swait.ge [sflag:s4], $0x0  }
0x19: {  	s7 =	sld [smem:$0x3F9E]  }
0x1a: {  	s8 =	sadd.s32 $0xFFFFE003, lr  }
0x1b: {  	s9 =	sadd.s32 $0xFFFFFEF7, lr;
	s5 =	simm.s32 $0xFFFFFFFF;
	p2 =	slt.u32 s8, $0xFFFFF086  }
0x1c: {  	p1 =	slt.u32 s9, $0xF7A;
	s5 =	simm.s32 @!p2 $0x0  }
0x1d: {  	s5 =	simm.s32 @p1 $0x1;
	p0 =	seq.s32 s7, s2  }
0x1e: {  	s7 =	smul.u32 @!p0 $0xF7A, s2;
	p2 =	seq.s32 @!p0 s5, $0x0  }
0x1f: {  	s9 =	smul.u32 $0xF7A, s1;
	s8 =	simm.s32 @!p0 $0x1BF5;
	p2 =	por !p2, p0  }
0x20: {  	[sflag:s8] =	ssyncset.s32 @!p0 $0xFFFFF086;
	s6 =	sadd.s32 @!p0 s3, s7;
	s7 =	simm.s32 @!p0 $0x108  }
0x21: {  	s3 =	sadd.s32 s3, s9;
	s6 =	sadd.s32 @!p0 $0x88, s6;
	s7 =	simm.s32 @p2 $0x1082  }
0x22: {  	[simem:s7], [sflag:s8] =	dma.local @!p0 [hbm:s6], $0xF7A  }
0x23: {  	s9 =	sor.u32 $0xD0000000, s2;
	s6 =	simm.s32 $0x108;
	_ =	swait.ge @!p0 [sflag:s8], $0x0  }
0x24: {  	s3 =	sadd.s32 $0x88, s3;
	s6 =	simm.s32 @!p1 $0x1082;
	[sflag:s4] =	ssyncset.s32 $0xFFFFF086  }
0x25: {  	[simem:s6], [sflag:s4] =	dma.local [hbm:s3], $0xF7A  }
0x26: {  	[smem:$0x3F9E] =	sst s1;
	(tag) =	ssettag s2;
	_ =	strace s9  }
0x27: {  	s1 =	sld [smem:$0x3FAE]  }
0x28: {  	s2 =	sld [smem:$0x3FAF]  }
0x29: {  	s4 =	sld [smem:$0x3FB1]  }
0x2a: {  	p0 =	seq.s32 s5, $0x0;
	s5 =	sld [smem:$0x3FB2]  }
0x2b: {  	s6 =	sld [smem:$0x3FB3]  }
0x2c: {  	s7 =	sld [smem:$0x3FB4]  }
0x2d: {  	s3 =	simm.s32 $0x108;
	s8 =	sld [smem:$0x3FB5]  }
0x2e: {  	s3 =	simm.s32 @!p0 $0x1082;
	s9 =	sld [smem:$0x3FB6]  }
0x2f: {  	lr =	sadd.s32 s0, s3;
	s0 =	sld [smem:$0x3FAD]  }
0x30: {  	s3 =	sld [smem:$0x3FB0]  }
0x31: {  	[smem:$0x3FB9] =	sst s10  }
0x32: {  	s10 =	sld [smem:$0x3FB7];
	_ =	sdelay $0x3  }
0x33: {  	p0 =	seq.s32 s10, $0x1;
	s10 =	sld [smem:$0x3FB9];
	_ =	sdelay $0x3  }
0x34: {  	[smem:$0x3FB9] =	sst s10  }
0x35: {  	s10 =	sld [smem:$0x3FB8];
	_ =	sdelay $0x3  }
0x36: {  	p1 =	seq.s32 s10, $0x1;
	s10 =	sld [smem:$0x3FB9];
	_ =	sdelay $0x3  }
0x37: {  	[smem:$0x3FB9] =	sst s10  }
0x38: {  	s10 =	sld [smem:$0x3FBA]  }
0x39: {  	_ = 	snop;
	(pc) =	sbr.ind lr, $3  }
0x3a: {  	_ = 	snop  }
0x3b: {  	_ = 	snop  }
0x3c: {  	p2 =	seq.s32 s10, $0x1;
	s10 =	sld [smem:$0x3FB9]  }
0x3d: {  	_ =	shalt  }
0x3e: {  	_ =	shalt  }
0x3f: {  	_ =	shalt  }
0x40: {  	_ =	shalt  }
0x41: {  	_ =	shalt  }
0x42: {  	_ =	shalt  }
0x43: {  	_ =	shalt  }
0x44: {  	_ =	shalt  }
0x45: {  	_ =	shalt  }
0x46: {  	_ =	shalt  }
0x47: {  	_ =	shalt  }
0x48: {  	_ =	shalt  }
0x49: {  	_ =	shalt  }
0x4a: {  	_ =	shalt  }
0x4b: {  	_ =	shalt  }
0x4c: {  	_ =	shalt  }
0x4d: {  	_ =	shalt  }
0x4e: {  	_ =	shalt  }
0x4f: {  	_ =	shalt  }
0x50: {  	_ =	shalt  }
0x51: {  	_ =	shalt  }
0x52: {  	_ =	shalt  }
0x53: {  	_ =	shalt  }
0x54: {  	_ =	shalt  }
0x55: {  	_ =	shalt  }
0x56: {  	_ =	shalt  }
0x57: {  	_ =	shalt  }
0x58: {  	_ =	shalt  }
0x59: {  	_ =	shalt  }
0x5a: {  	_ =	shalt  }
0x5b: {  	_ =	shalt  }
0x5c: {  	_ =	shalt  }
0x5d: {  	_ =	shalt  }
0x5e: {  	_ =	shalt  }
0x5f: {  	_ =	shalt  }
0x60: {  	_ =	shalt  }
0x61: {  	_ =	shalt  }
0x62: {  	_ =	shalt  }
0x63: {  	_ =	shalt  }
0x64: {  	_ =	shalt  }
0x65: {  	_ =	shalt  }
0x66: {  	_ =	shalt  }
0x67: {  	_ =	shalt  }
0x68: {  	_ =	shalt  }
0x69: {  	_ =	shalt  }
0x6a: {  	_ =	shalt  }
0x6b: {  	_ =	shalt  }
0x6c: {  	_ =	shalt  }
0x6d: {  	_ =	shalt  }
0x6e: {  	_ =	shalt  }
0x6f: {  	_ =	shalt  }
0x70: {  	_ =	shalt  }
0x71: {  	_ =	shalt  }
0x72: {  	_ =	shalt  }
0x73: {  	_ =	shalt  }
0x74: {  	_ =	shalt  }
0x75: {  	_ =	shalt  }
0x76: {  	_ =	shalt  }
0x77: {  	_ =	shalt  }
0x78: {  	_ =	shalt  }
0x79: {  	_ =	shalt  }
0x7a: {  	_ =	shalt  }
0x7b: {  	_ =	shalt  }
0x7c: {  	_ =	shalt  }
0x7d: {  	_ =	shalt  }
0x7e: {  	_ =	shalt  }
0x7f: {  	_ =	shalt  }
0x80: {  	_ =	shalt  }
0x81: {  	_ =	shalt  }
0x82: {  	_ =	shalt  }
0x83: {  	_ =	shalt  }
0x84: {  	_ =	shalt  }
0x85: {  	_ =	shalt  }
0x86: {  	_ =	shalt  }
0x87: {  	_ =	shalt  }
.Lfunc_end0:
.L_simem_size_0:
called_computation_lowered:
.L_overlay_start_0:
0x88: {  	s2 =	sld [smem:$0x3FD9]  }
0x89: {  	s3 =	sld [smem:$0x3FFE];
	_ =	sdelay $0x1  }
0x8a: {  	s1 =	srdreg.scid  }
0x8b: {  	s0 =	sand.u32 $0x1, s1  }
0x8c: {  	s17 =	sshll.u32 s0, $0xA;
	s2 =	sadd.s32 s3, s2  }
0x8d: {  	s2 =	sadd.s32 s2, s17  }
0x8e: {  	[smem:$0x3FC5] =	sst s2  }
0x8f: {  	_ = 	snop  }
0x90: {  	s2 =	sld [smem:$0x3FC8];
	(tm) =	ssettm $0x1  }
0x91: {  	s18 =	sld [smem:$0x3FFB];
	_ =	sdelay $0x3  }
0x92: {  	_ =	strace s18  }
0x93: {  	s3 =	sld [smem:$0x3FFC];
	_ =	sdelay $0x3  }
0x94: {  	_ =	strace s3  }
0x95: {  	s3 =	sld [smem:$0x3FFD];
	_ =	sdelay $0x3  }
0x96: {  	_ =	strace s3  }
0x97: {  	_ =	strace $0x8FFFFFFF  }
0x98: {  	s19 =	sld [smem:$0x3FDB];
	_ =	sdelay $0x1  }
0x99: {  	s4 =	simm.s32 $_scs_section_size  }
0x9a: {  	s5 =	simm.s32 $_size__tile_overlayer_lowered;
	s6 =	simm.s32 $_tile_overlayer_lowered  }
0x9b: {  	s22 =	simm.s32 $0x1BFF;
	s21 =	sshll.u32 s6, $0x1;
	s3 =	sadd.s32 s4, s19  }
0x9c: {  	s7 =	simm.s32 $0x0;
	s20 =	sshll.u32 s5, $0x1;
	s5 =	sadd.s32 s21, s3  }
0x9d: {  	[timem:s7], [sflag:s22] =	dma.local [hbm:s5], s20  }
0x9e: {  	_ =	swait.ge [sflag:s22], s20  }
0x9f: {  	s4 =	ssub.s32 $0x0, s20;
	[sflag:s22] =	ssyncset.done $0x0  }
0xa0: {  	[sflag:s22] =	ssyncadd.s32 s4;
	_ =	sdelay $0x1  }
0xa1: {  	s23 =	simm.s32 $0x1B8B  }
0xa2: {  	_ =	swait.ge [sflag:s23], $0x1  }
0xa3: {  	[sflag:s23] =	ssyncset.done $0x0  }
0xa4: {  	s25 =	simm.s32 $0x1B8E;
	s24 =	sld [smem:$0x3FFE];
	[sflag:s23] =	ssyncadd.s32 $0xFFFFFFFF  }
0xa5: {  	s26 =	simm.s32 $execute0_lowered;
	[smem:$0x3FD2] =	sst s25  }
0xa6: {  	s5 =	sshll.u32 s26, $0x1;
	_ =	strace $0x80000046;
	[dreg:$0x1] =	wrdreg $0xFFFFFFFF  }
0xa7: {  	s28 =	simm.s32 $_size_execute0_lowered;
	s3 =	sadd.s32 s3, s5;
	[dreg:$0x0] =	wrdreg $0x0  }
0xa8: {  	s5 =	sshll.u32 s28, $0x1;
	[dreg:$0x2] =	wrdreg s3  }
0xa9: {  	[dreg:$0x3] =	wrdreg s5  }
0xaa: {  	[dreg:$0x4] =	wrdreg $0xC0  }
0xab: {  	_ =	task [dreg:s7], $0x5FFFF  }
0xac: {  	[dreg:$0x1] =	wrdreg $0xFFFFFFFF  }
0xad: {  	[dreg:$0x0] =	wrdreg $0x60  }
0xae: {  	[dreg:$0x2] =	wrdreg s2  }
0xaf: {  	[dreg:$0x3] =	wrdreg s24  }
0xb0: {  	[dreg:$0x4] =	wrdreg $0x9  }
0xb1: {  	_ =	task.clear_ibuf [dreg:s7], $0x5FFFF;
	_ =	strace $0x90000046  }
0xb2: {  	s29 =	simm.s32 $0x9;
	_ =	strace $0x80000048  }
0xb3: {  	_ =	swait.ge [sflag:s29], $0x1  }
0xb4: {  	[sflag:s29] =	ssyncadd.s32 $0xFFFFFFFF  }
0xb5: {  	_ =	strace $0x90000048  }
0xb6: {  	_ =	sfence  }
0xb7: {  	s30 =	sld [smem:$0x0];
	_ =	sdelay $0x2  }
0xb8: {  	s31 =	sshll.u32 s1, $0xD;
	s1 =	sshrl.u32 s1, $0x2  }
0xb9: {  	s3 =	sand.u32 $0x4000, s31;
	s1 =	sadd.s32 s1, s30  }
0xba: {  	s0 =	sor.u32 s3, s0;
	s1 =	sshll.u32 s1, $0x11  }
0xbb: {  	s0 =	sor.u32 s1, s0  }
0xbc: {  	s0 =	sadd.s32 $0x8F2B, s0  }
0xbd: {  	[sflag:s0] =	ssyncadd.remote.s32 $0x1  }
0xbe: {  	_ =	sfence.sel $0xFFFF  }
0xbf: {  	[dreg:$0x0] =	wrdreg $0xFFFFFFFF;
	(pc) =	sbr.abs _section_cstart, $3  }
0xc0: {  	[dreg:$0x1] =	wrdreg $0xFFFFFFFF  }
0xc1: {  	_ =	task.clear_ibuf [dreg:s7], $0x2FFFF;
	_ =	strace $0x9FFFFFFF  }
0xc2: {  	(tm) =	ssettm $0x7FFFFFFF  }
0xc3: {  	_ =	shalt  }
tec
execute0_lowered:
.L_overlay_start_1:
0x0: {  	(tag) =	ssettag $0x1  }
0x1: {  	s0 =	srdreg.scid  }
0x2: {  	s3 =	sand.u32 $0x1, s0;
	s0 =	stileid.u32  }
0x3: {  	s5 =	sor.u32 s0, s3  }
0x4: {  	p0 =	sne.s32 s5, $0x0  }
.Ltmp0:
0x5: {  	_ = 	snop;
	(pc) =	sbr.rel @!p0 .LBB2_1-.Ltmp0, $4  }
0x6: {  	_ = 	snop  }
0x7: {  	s2 =	rddreg [dreg:$0x0]  }
0x8: {  	s4 =	rddreg [dreg:$0x1]  }
0x9: {  	s1 =	rddreg [dreg:$0x2];
	_ =	strace $0x80000047  }
.LBB2_16:
0xa: {  	_ =	sfence.sel $0x180000  }
0xb: {  	[bflag:$0x0] =	sbarrier.arrive $0xFFFF  }
0xc: {  	p0 =	sne.s32 s0, $0x0;
	_ =	strace $0x90000047  }
0xd: {  	s0 =	sadd.s32 @!p0 $0x100000, s1;
	[bflag:$0x2] =	sbarrier.arrive $0xFFFF  }
0xe: {  	[sflag:s0] =	ssyncadd.tile.s32 @!p0 $0x1;
	_ =	shalt  }
.LBB2_1:
.Ltmp1:
0xf: {  	(pc) =	sbr.rel .LBB2_2-.Ltmp1, $4  }
0x10: {  	s5 =	ssub.s32 $0x2, s3  }
0x11: {  	s3 =	sadd.s32 $0x600, s4;
	s4 =	sadd.s32 $0x800, s4;
	s7 =	simm.s32 $0x1  }
0x12: {  	s8 =	simm.s32 $0x4000;
	s9 =	simm.s32 $0x4500;
	s6 =	sshrl.u32 s5, $0x1  }
0x13: {  	v0 =	vimm.f32 $0.0e+00;
	v1 =	vimm.f32 $1.000000000e+00;
	v2 =	vlaneseq.u32;
	s10 =	simm.s32 $0x0;
	s5 =	ssub.s32 s5, s6;
	s6 =	simm.s32 $0x0  }
.LBB2_15:
0x14: {  	s10 =	sadd.s32 $0x1, s10  }
0x15: {  	p0 =	sne.s32 s10, s5  }
.Ltmp2:
0x16: {  	_ = 	snop;
	(pc) =	sbr.rel @!p0 .LBB2_16-.Ltmp2, $4  }
0x17: {  	[hbm4b:s4+s6] =	stream.linear.scatter [tilespmem:s9], [sflag:$0x1], $0x500, $0x38;
	[tilespmem:$0x4A00] =	vst v63  }
0x18: {  	_ =	swait.ge [sflag:s7], $0x500  }
0x19: {  	[sflag:s7] =	ssyncset.done $0x0  }
0x1a: {  	[sflag:s7] =	ssyncadd.s32 $0xFFFFFB00  }
.LBB2_2:
0x1b: {  	[tilespmem:s6], [sflag:$0x1] =	stream.linear.gather [hbm4b:s2+s6], $0x4000, $0x38;
	[tilespmem:$0x4A00] =	vst v63  }
0x1c: {  	_ =	swait.ge [sflag:s7], $0x4000  }
0x1d: {  	[sflag:s7] =	ssyncset.done $0x0  }
0x1e: {  	[sflag:s7] =	ssyncadd.s32 $0xFFFFC000  }
0x1f: {  	[tilespmem:s8], [sflag:$0x1] =	stream.linear.gather [hbm4b:s3+s6], $0x500, $0x38;
	[tilespmem:$0x4A00] =	vst v63  }
0x20: {  	_ =	swait.ge [sflag:s7], $0x500  }
0x21: {  	[sflag:s7] =	ssyncset.done $0x0  }
0x22: {  	s11 =	simm.s32 $0x40;
	s12 =	simm.s32 $0x0;
	[sflag:s7] =	ssyncadd.s32 $0xFFFFFB00  }
.LBB2_3:
0x23: {  	p0 =	sne.s32 s11, $0x12C0;
	[tilespmem:s12+$0x4500] =	vst v0;
	s12 =	smov.u32 s11;
	s11 =	sadd.s32 $0x40, s11  }
.Ltmp3:
0x24: {  	(pc) =	sbr.rel @p0 .LBB2_3-.Ltmp3, $2  }
0x25: {  	_ =	sdelay $0x2  }
0x26: {  	s12 =	sshra.s32 s12, $0x2  }
0x27: {  	[tilespmem:s12+$0x4500] =	vst v0;
	s11 =	simm.s32 $0x0  }
.LBB2_5:
0x28: {  	s12 =	sshra.s32 s11, $0x2  }
0x29: {  	v3 =	vld [tilespmem:s12+$0x0];
	_ =	sdelay $0x2  }
0x2a: {  	p0 =	sne.s32 s11, $0xFFC0  }
.Ltmp4:
0x2b: {  	_ = 	snop;
	(pc) =	sbr.rel @p0 .LBB2_5-.Ltmp4, $2  }
0x2c: {  	_ =	sdelay $0x2  }
0x2d: {  	s11 =	sadd.s32 $0x40, s11;
	[tilespmem:v3+s9+$0x0] =	vst.idx.msk $0xffff, v1  }
0x2e: {  	s12 =	simm.s32 $0x0  }
0x2f: {  	v3 =	vimm.f32 $0.0e+00;
	s11 =	simm.s32 $0x40;
	v4 =	vld [tilespmem:s12+$0x4500]  }
.LBB2_7:
0x30: {  	p0 =	sne.s32 s11, $0x12C0  }
.Ltmp5:
0x31: {  	_ = 	snop;
	(pc) =	sbr.rel @p0 .LBB2_7-.Ltmp5, $3  }
0x32: {  	_ =	sdelay $0x1  }
0x33: {  	s12 =	sshra.s32 s11, $0x2;
	s11 =	sadd.s32 $0x40, s11;
	v3 =	vadd.f32 v4, v3  }
0x34: {  	v4 =	vld [tilespmem:s12+$0x4500]  }
0x35: {  	_ =	sdelay $0x3  }
0x36: {  	v3 =	vadd.f32 v4, v3;
	_ =	sdelay $0x1  }
0x37: {  	(xrf2) =	vadd.scan.msk.f32 $0xffff, v3;
	_ =	sdelay $0x9  }
0x38: {  	v3, _, _ =	vpop (xrf2)  }
0x39: {  	(v2sf) =	vpush v3, $0xF;
	_ =	sdelay $0xe  }
0x3a: {  	s11 =	spop (v2sf)  }
0x3b: {  	p0 =	slt.f32 s11, $5.000000000e+01  }
.Ltmp6:
0x3c: {  	_ = 	snop;
	(pc) =	sbr.rel @!p0 .LBB2_15-.Ltmp6, $1  }
0x3d: {  	_ =	sdelay $0x3  }
.Ltmp7:
0x3e: {  	(pc) =	sbr.rel .LBB2_10-.Ltmp7, $2  }
0x3f: {  	_ =	sdelay $0x2  }
0x40: {  	s11 =	ssub.f32 $5.000000000e+01, s11;
	s12 =	simm.s32 $0x0  }
.LBB2_14:
0x41: {  	s12 =	sadd.s32 $0x1, s12  }
0x42: {  	p0 =	sne.s32 s12, $0x31  }
.Ltmp8:
0x43: {  	_ = 	snop;
	(pc) =	sbr.rel @!p0 .LBB2_15-.Ltmp8, $1  }
0x44: {  	_ =	sdelay $0x3  }
.LBB2_10:
0x45: {  	s13 =	scvt.s32.f32 s12;
	_ =	sdelay $0x1  }
0x46: {  	p0 =	sgt.f32 s11, s13  }
.Ltmp9:
0x47: {  	_ = 	snop;
	(pc) =	sbr.rel @!p0 .LBB2_14-.Ltmp9, $1  }
0x48: {  	_ =	sdelay $0x3  }
0x49: {  	s13 =	simm.s32 $0x4500  }
0x4a: {  	v6 =	vld [tilespmem:s13+$0x0]  }
0x4b: {  	s13 =	simm.s32 $0x4000  }
0x4c: {  	v5 =	vld [tilespmem:s13+$0x0];
	_ =	sdelay $0x2  }
0x4d: {  	v4 =	vimm.f32 $-Inf;
	v3 =	vimm.s32 $0x0;
	s15 =	simm.s32 $0x10;
	s16 =	simm.s32 $0x4510;
	s14 =	simm.s32 $0x0;
	vm0 =	vgt.f32 v6, $0.0e+00  }
.LBB2_12:
0x4e: {  	p0 =	sne.s32 s15, $0x4B0  }
0x4f: {  	v6 =	vld [tilespmem:s16+$0x0];
	v7 =	vsel vm0, $0xFF800000, v5;
	s13 =	sadd.s32 $0x10, s13;
	s17 =	smov.u32 s15;
	s15 =	sadd.s32 $0x10, s15  }
.Ltmp10:
0x50: {  	v8 =	vor.u32 s14, v2;
	v5 =	vld [tilespmem:s13+$0x0];
	vm0 =	vgt.f32 v7, v4;
	s14 =	smov.u32 s17;
	(pc) =	sbr.rel @p0 .LBB2_12-.Ltmp10, $2  }
0x51: {  	v4 =	vsel vm0, v7, v4;
	v3 =	vsel vm0, v8, v3;
	_ =	sdelay $0x2  }
0x52: {  	s16 =	sadd.s32 $0x10, s16;
	vm0 =	vgt.f32 v6, $0.0e+00  }
0x53: {  	v5 =	vsel vm0, $0xFF800000, v5  }
0x54: {  	vm0 =	vgt.f32 v5, v4  }
0x55: {  	v4 =	vsel vm0, v5, v4  }
0x56: {  	(xrf0) =	vmax.scan.msk.f32 $0xffff, v4;
	_ =	sdelay $0x5  }
0x57: {  	v63, _, _ =	vpop (xrf0)  }
0x58: {  	v5 =	vbroadcast v63, $0xF  }
0x59: {  	v6 =	vor.u32 s14, v2  }
0x5a: {  	v3 =	vsel vm0, v6, v3;
	vm15 =	veq.f32 v4, v5  }
0x5b: {  	v3 =	vnsel vm15, $0x0, v3  }
0x5c: {  	(xrf0) =	vadd.scan.msk.s32 $0xffff, v3;
	_ =	sdelay $0x5  }
0x5d: {  	v3, _, _ =	vpop (xrf0)  }
0x5e: {  	v3 =	vbroadcast v3, $0xF;
	_ =	sdelay $0x1  }
.Ltmp11:
0x5f: {  	_ = 	snop;
	(pc) =	sbr.rel .LBB2_14-.Ltmp11, $2  }
0x60: {  	_ =	sdelay $0x2  }
0x61: {  	[tilespmem:v3+s9+$0x0] =	vst.idx.msk $0x1, v1  }
.Lfunc_end2:
_tile_overlayer_lowered:
.L_overlay_start_2:
0x62: {  	(tag) =	ssettag $0x2  }
0x63: {  	s0 =	rddreg [dreg:$0x0];
	s2 =	stileid.u32  }
0x64: {  	s1 =	rddreg [dreg:$0x1];
	p0 =	sne.s32 s2, $0x0  }
0x65: {  	s3 =	rddreg [dreg:$0x2];
	[bflag:$0x3] =	sbarrier.arrive $0xFFFF;
	s2 =	simm.s32 @!p0 $0x1C01  }
0x66: {  	[timem:s3], [sflag:s2] =	dma.local @!p0 [hbm:s0], s1  }
0x67: {  	s0 =	simm.s32 @!p0 $0x1  }
0x68: {  	_ =	swait.ge @!p0 [sflag:s0], s1  }
0x69: {  	s1 =	ssub.s32 @!p0 $0x0, s1;
	[sflag:s0] =	ssyncset.done @!p0 $0x0  }
0x6a: {  	[sflag:s0] =	ssyncadd.s32 @!p0 s1  }
0x6b: {  	[bflag:$0x3] =	sbarrier.arrive $0xFFFF  }
0x6c: {  	_ =	shalt  }

</sc_bundles>
